<compile_context>
chip_gen: v7x
topology: tpu7x:2x2x1
jax: 0.10.2.dev20260603
libtpu: 0.0.44.dev20260713+nightly
codegen_flags: <defaults>
</compile_context>

<pallas_src>
import functools

import jax
import jax.numpy as jnp
from jax import lax
from jax.experimental import pallas as pl
from jax.experimental.pallas import tpu as pltpu
from jax.experimental.pallas import tpu_sc as plsc

_VOCAB = 32000
_DIM = 4096

_NC = 2
_NS = 16
_NW = _NC * _NS


def _embed(idx, weight):
    B = idx.shape[0] * idx.shape[1]
    idx = idx.reshape(_NW, (B // _NW) // 4, 4)
    b_per_w = B // _NW
    C = 4
    n_chunks = b_per_w // C

    mesh = plsc.VectorSubcoreMesh(core_axis_name="c", subcore_axis_name="s")

    @functools.partial(
        pl.kernel,
        mesh=mesh,
        out_type=jax.ShapeDtypeStruct((B, _DIM), jnp.float32),
        scratch_types=[
            pltpu.VMEM((b_per_w // 4, 4), jnp.int32),
            pltpu.VMEM((C, _DIM), jnp.float32),
            pltpu.VMEM((C, _DIM), jnp.float32),
            pltpu.SemaphoreType.DMA,
            pltpu.SemaphoreType.DMA,
            pltpu.SemaphoreType.DMA,
            pltpu.SemaphoreType.DMA,
        ],
    )
    def emb(idx_hbm, table_hbm, out_hbm, idx_v, buf0, buf1, gs0, gs1, ws0, ws1):
        wid = lax.axis_index("s") * _NC + lax.axis_index("c")
        base = wid * b_per_w
        pltpu.sync_copy(idx_hbm.at[wid], idx_v)

        bufs = (buf0, buf1)
        gsems = (gs0, gs1)
        wsems = (ws0, ws1)

        def g_start(j, b):
            pltpu.async_copy(
                table_hbm.at[idx_v.at[j]], bufs[b], gsems[b]
            )

        def g_wait(b):
            pltpu.make_async_copy(
                table_hbm.at[pl.ds(0, C)], bufs[b], gsems[b]
            ).wait()

        def w_start(j, b):
            pltpu.async_copy(
                bufs[b], out_hbm.at[pl.ds(base + j * C, C)], wsems[b]
            )

        def w_wait(b):
            pltpu.make_async_copy(
                bufs[b], out_hbm.at[pl.ds(0, C)], wsems[b]
            ).wait()

        g_start(0, 0)
        g_start(1, 1)
        g_wait(0)
        w_start(0, 0)

        def body(i, carry):
            j = 2 * i - 1
            w_wait(0)
            g_start(j + 1, 0)
            g_wait(1)
            w_start(j, 1)
            w_wait(1)
            g_start(j + 2, 1)
            g_wait(0)
            w_start(j + 1, 0)
            return carry

        lax.fori_loop(1, n_chunks // 2, body, 0)

        w_wait(0)
        g_wait(1)
        w_start(n_chunks - 1, 1)
        w_wait(1)

    return emb(idx, weight)


def kernel(x, weight):
    out = _embed(x.astype(jnp.int32), weight)
    return out.reshape(x.shape[0], x.shape[1], _DIM)

# --- scband reference (transcript-rebuilt; emitter-appended) ---
"""Pipeline reference for scband-host-embedding-9466107920593 (READ-ONLY COPY).

The authoritative reference and input builder live on the scoring server;
editing this copy changes nothing except your own understanding.
"""

import jax, jax.numpy as jnp
import numpy as np

VOCAB = 32000
DIM = 4096

def setup_inputs(seed: int = 0) -> dict:
    key = jax.random.key(seed)
    k1, k2 = jax.random.split(key)
    x = jax.random.randint(k1, (4, 2048), 0, VOCAB, dtype=jnp.int64 if jax.config.jax_enable_x64 else jnp.int32)
    weight = jax.random.normal(k2, (VOCAB, DIM), dtype=jnp.float32)
    return {"x": x, "weight": weight}

def reference(x, weight):
    # Faithful translation of torch.nn.Embedding forward: row gather
    return jnp.take(weight, x, axis=0)

if __name__ == "__main__":
    import jax
    _d = setup_inputs()
    print(jax.jit(kernel)(*tuple(_d.values())))

</pallas_src>

<mosaic_0001>
#map = affine_map<(d0, d1) -> (0, 0, 0)>
#map1 = affine_map<(d0, d1) -> (0, 0)>
module attributes {stable_mosaic.version = 14 : i64} {
  func.func @emb(%arg0: i32, %arg1: i32, %arg2: memref<32x64x4xi32, #tpu.memory_space<hbm>>, %arg3: memref<32000x4096xf32, #tpu.memory_space<hbm>>, %arg4: memref<8192x4096xf32, #tpu.memory_space<hbm>>, %arg5: memref<64x4xi32, #tpu.memory_space<vmem>>, %arg6: memref<4x4096xf32, #tpu.memory_space<vmem>>, %arg7: memref<4x4096xf32, #tpu.memory_space<vmem>>, %arg8: memref<!tpu.dma_semaphore, #tpu.memory_space<semaphore_mem>>, %arg9: memref<!tpu.dma_semaphore, #tpu.memory_space<semaphore_mem>>, %arg10: memref<!tpu.dma_semaphore, #tpu.memory_space<semaphore_mem>>, %arg11: memref<!tpu.dma_semaphore, #tpu.memory_space<semaphore_mem>>) attributes {dimension_semantics = [#tpu.dimension_semantics<core_parallel>, #tpu.dimension_semantics<subcore_parallel>], iteration_bounds = array<i64: 2, 16>, scalar_prefetch = 0 : i64, scratch_operands = 7 : i64, tpu.core_type = #tpu.core_type<sc_vector_subcore>, window_params = [{transform_indices = #map}, {transform_indices = #map1}, {transform_indices = #map1}]} {
    %mul3A = arith.constant 2 : i32
    %mul3A_0 = arith.muli %arg1, %mul3A : i32
    %add3A = arith.addi %mul3A_0, %arg0 : i32
    %mul3A_1 = arith.constant 256 : i32
    %mul3A_2 = arith.muli %add3A, %mul3A_1 : i32
    "tpu.region"() ({
      %run_scoped3A = tpu.sem_alloc : memref<!tpu.dma_semaphore, #tpu.memory_space<semaphore_mem>>
      %dma_start3A_56 = arith.constant 0 : i32
      %dma_start3A_57 = arith.constant 0 : i32
      %dma_start3A_58 = tpu.memref_slice %arg2[%add3A, %dma_start3A_56, %dma_start3A_57] : memref<32x64x4xi32, #tpu.memory_space<hbm>> -> memref<1x64x4xi32, #tpu.memory_space<hbm>>
      %dma_start3A_59 = tpu.memref_squeeze %dma_start3A_58 : memref<1x64x4xi32, #tpu.memory_space<hbm>> -> memref<64x4xi32, #tpu.memory_space<hbm>>
      %dma_start3A_60 = arith.constant 0 : i32
      %dma_start3A_61 = arith.constant 0 : i32
      %dma_start3A_62 = tpu.memref_slice %arg2[%add3A, %dma_start3A_60, %dma_start3A_61] : memref<32x64x4xi32, #tpu.memory_space<hbm>> -> memref<1x64x4xi32, #tpu.memory_space<hbm>>
      %dma_start3A_63 = tpu.memref_squeeze %dma_start3A_62 : memref<1x64x4xi32, #tpu.memory_space<hbm>> -> memref<64x4xi32, #tpu.memory_space<hbm>>
      tpu.enqueue_dma source(%dma_start3A_63 : memref<64x4xi32, #tpu.memory_space<hbm>>) target(%arg5 : memref<64x4xi32, #tpu.memory_space<vmem>>) target_semaphore(%run_scoped3A : memref<!tpu.dma_semaphore, #tpu.memory_space<semaphore_mem>>)
      %dma_wait3A_64 = arith.constant 0 : i32
      %dma_wait3A_65 = arith.constant 0 : i32
      %dma_wait3A_66 = tpu.memref_slice %arg2[%add3A, %dma_wait3A_64, %dma_wait3A_65] : memref<32x64x4xi32, #tpu.memory_space<hbm>> -> memref<1x64x4xi32, #tpu.memory_space<hbm>>
      %dma_wait3A_67 = tpu.memref_squeeze %dma_wait3A_66 : memref<1x64x4xi32, #tpu.memory_space<hbm>> -> memref<64x4xi32, #tpu.memory_space<hbm>>
      %dma_wait3A_68 = arith.constant 0 : i32
      %dma_wait3A_69 = arith.constant 0 : i32
      %dma_wait3A_70 = tpu.memref_slice %arg2[%add3A, %dma_wait3A_68, %dma_wait3A_69] : memref<32x64x4xi32, #tpu.memory_space<hbm>> -> memref<1x64x4xi32, #tpu.memory_space<hbm>>
      %dma_wait3A_71 = tpu.memref_squeeze %dma_wait3A_70 : memref<1x64x4xi32, #tpu.memory_space<hbm>> -> memref<64x4xi32, #tpu.memory_space<hbm>>
      tpu.wait_dma2 semaphore(%run_scoped3A : memref<!tpu.dma_semaphore, #tpu.memory_space<semaphore_mem>>) src(%dma_wait3A_71 : memref<64x4xi32, #tpu.memory_space<hbm>>) dst(%arg5 : memref<64x4xi32, #tpu.memory_space<vmem>>)
      tpu.yield
    }) : () -> ()
    %dma_start3A = arith.constant 0 : i32
    %dma_start3A_3 = arith.constant 0 : i32
    %dma_start3A_4 = tpu.memref_slice %arg5[%dma_start3A, %dma_start3A_3] : memref<64x4xi32, #tpu.memory_space<vmem>> -> memref<1x4xi32, #tpu.memory_space<vmem>>
    %dma_start3A_5 = tpu.memref_squeeze %dma_start3A_4 : memref<1x4xi32, #tpu.memory_space<vmem>> -> memref<4xi32, #tpu.memory_space<vmem>>
    %dma_start3A_6 = arith.constant 0 : i32
    %dma_start3A_7 = arith.constant 0 : i32
    %dma_start3A_8 = tpu.memref_slice %arg3[%dma_start3A_6, %dma_start3A_7] : memref<32000x4096xf32, #tpu.memory_space<hbm>> -> memref<32000x4096xf32, #tpu.memory_space<hbm>>
    tpu.enqueue_indirect_dma source(%dma_start3A_8 : memref<32000x4096xf32, #tpu.memory_space<hbm>>) target(%arg6 : memref<4x4096xf32, #tpu.memory_space<vmem>>) offsets(%dma_start3A_5 : memref<4xi32, #tpu.memory_space<vmem>>) semaphore(%arg8 : memref<!tpu.dma_semaphore, #tpu.memory_space<semaphore_mem>>)
    %dma_start3A_9 = arith.constant 1 : i32
    %dma_start3A_10 = arith.constant 0 : i32
    %dma_start3A_11 = tpu.memref_slice %arg5[%dma_start3A_9, %dma_start3A_10] : memref<64x4xi32, #tpu.memory_space<vmem>> -> memref<1x4xi32, #tpu.memory_space<vmem>>
    %dma_start3A_12 = tpu.memref_squeeze %dma_start3A_11 : memref<1x4xi32, #tpu.memory_space<vmem>> -> memref<4xi32, #tpu.memory_space<vmem>>
    %dma_start3A_13 = arith.constant 0 : i32
    %dma_start3A_14 = arith.constant 0 : i32
    %dma_start3A_15 = tpu.memref_slice %arg3[%dma_start3A_13, %dma_start3A_14] : memref<32000x4096xf32, #tpu.memory_space<hbm>> -> memref<32000x4096xf32, #tpu.memory_space<hbm>>
    tpu.enqueue_indirect_dma source(%dma_start3A_15 : memref<32000x4096xf32, #tpu.memory_space<hbm>>) target(%arg7 : memref<4x4096xf32, #tpu.memory_space<vmem>>) offsets(%dma_start3A_12 : memref<4xi32, #tpu.memory_space<vmem>>) semaphore(%arg9 : memref<!tpu.dma_semaphore, #tpu.memory_space<semaphore_mem>>)
    %dma_wait3A = arith.constant 0 : i32
    %dma_wait3A_16 = arith.constant 0 : i32
    %dma_wait3A_17 = tpu.memref_slice %arg3[%dma_wait3A, %dma_wait3A_16] : memref<32000x4096xf32, #tpu.memory_space<hbm>> -> memref<4x4096xf32, #tpu.memory_space<hbm>>
    %dma_wait3A_18 = arith.constant 0 : i32
    %dma_wait3A_19 = arith.constant 0 : i32
    %dma_wait3A_20 = tpu.memref_slice %arg3[%dma_wait3A_18, %dma_wait3A_19] : memref<32000x4096xf32, #tpu.memory_space<hbm>> -> memref<4x4096xf32, #tpu.memory_space<hbm>>
    tpu.wait_dma2 semaphore(%arg8 : memref<!tpu.dma_semaphore, #tpu.memory_space<semaphore_mem>>) src(%dma_wait3A_20 : memref<4x4096xf32, #tpu.memory_space<hbm>>) dst(%arg6 : memref<4x4096xf32, #tpu.memory_space<vmem>>)
    %add3A_21 = arith.constant 0 : i32
    %add3A_22 = arith.addi %mul3A_2, %add3A_21 : i32
    %dma_start3A_23 = arith.constant 0 : i32
    %dma_start3A_24 = tpu.memref_slice %arg4[%add3A_22, %dma_start3A_23] : memref<8192x4096xf32, #tpu.memory_space<hbm>> -> memref<4x4096xf32, #tpu.memory_space<hbm>>
    %dma_start3A_25 = arith.constant 0 : i32
    %dma_start3A_26 = tpu.memref_slice %arg4[%add3A_22, %dma_start3A_25] : memref<8192x4096xf32, #tpu.memory_space<hbm>> -> memref<4x4096xf32, #tpu.memory_space<hbm>>
    tpu.enqueue_dma source(%arg6 : memref<4x4096xf32, #tpu.memory_space<vmem>>) target(%dma_start3A_26 : memref<4x4096xf32, #tpu.memory_space<hbm>>) target_semaphore(%arg10 : memref<!tpu.dma_semaphore, #tpu.memory_space<semaphore_mem>>)
    %scan3A = arith.constant 0 : i32
    %scan3A_27 = arith.constant 1 : i32
    %scan3A_28 = arith.constant 31 : i32
    %scan3A_29 = arith.addi %scan3A_27, %scan3A_28 : i32
    %scan3A_30 = arith.constant 1 : i32
    scf.for %scan3A_56 = %scan3A_27 to %scan3A_29 step %scan3A_30  : i32 {
      %mul3A_57 = arith.constant 2 : i32
      %mul3A_58 = arith.muli %mul3A_57, %scan3A_56 : i32
      %sub3A = arith.constant 1 : i32
      %sub3A_59 = arith.subi %mul3A_58, %sub3A : i32
      %dma_wait3A_60 = arith.constant 0 : i32
      %dma_wait3A_61 = arith.constant 0 : i32
      %dma_wait3A_62 = tpu.memref_slice %arg4[%dma_wait3A_60, %dma_wait3A_61] : memref<8192x4096xf32, #tpu.memory_space<hbm>> -> memref<4x4096xf32, #tpu.memory_space<hbm>>
      %dma_wait3A_63 = arith.constant 0 : i32
      %dma_wait3A_64 = arith.constant 0 : i32
      %dma_wait3A_65 = tpu.memref_slice %arg4[%dma_wait3A_63, %dma_wait3A_64] : memref<8192x4096xf32, #tpu.memory_space<hbm>> -> memref<4x4096xf32, #tpu.memory_space<hbm>>
      tpu.wait_dma2 semaphore(%arg10 : memref<!tpu.dma_semaphore, #tpu.memory_space<semaphore_mem>>) src(%arg6 : memref<4x4096xf32, #tpu.memory_space<vmem>>) dst(%dma_wait3A_65 : memref<4x4096xf32, #tpu.memory_space<hbm>>)
      %add3A_66 = arith.constant 1 : i32
      %add3A_67 = arith.addi %sub3A_59, %add3A_66 : i32
      %dma_start3A_68 = arith.constant 0 : i32
      %dma_start3A_69 = tpu.memref_slice %arg5[%add3A_67, %dma_start3A_68] : memref<64x4xi32, #tpu.memory_space<vmem>> -> memref<1x4xi32, #tpu.memory_space<vmem>>
      %dma_start3A_70 = tpu.memref_squeeze %dma_start3A_69 : memref<1x4xi32, #tpu.memory_space<vmem>> -> memref<4xi32, #tpu.memory_space<vmem>>
      %dma_start3A_71 = arith.constant 0 : i32
      %dma_start3A_72 = arith.constant 0 : i32
      %dma_start3A_73 = tpu.memref_slice %arg3[%dma_start3A_71, %dma_start3A_72] : memref<32000x4096xf32, #tpu.memory_space<hbm>> -> memref<32000x4096xf32, #tpu.memory_space<hbm>>
      tpu.enqueue_indirect_dma source(%dma_start3A_73 : memref<32000x4096xf32, #tpu.memory_space<hbm>>) target(%arg6 : memref<4x4096xf32, #tpu.memory_space<vmem>>) offsets(%dma_start3A_70 : memref<4xi32, #tpu.memory_space<vmem>>) semaphore(%arg8 : memref<!tpu.dma_semaphore, #tpu.memory_space<semaphore_mem>>)
      %dma_wait3A_74 = arith.constant 0 : i32
      %dma_wait3A_75 = arith.constant 0 : i32
      %dma_wait3A_76 = tpu.memref_slice %arg3[%dma_wait3A_74, %dma_wait3A_75] : memref<32000x4096xf32, #tpu.memory_space<hbm>> -> memref<4x4096xf32, #tpu.memory_space<hbm>>
      %dma_wait3A_77 = arith.constant 0 : i32
      %dma_wait3A_78 = arith.constant 0 : i32
      %dma_wait3A_79 = tpu.memref_slice %arg3[%dma_wait3A_77, %dma_wait3A_78] : memref<32000x4096xf32, #tpu.memory_space<hbm>> -> memref<4x4096xf32, #tpu.memory_space<hbm>>
      tpu.wait_dma2 semaphore(%arg9 : memref<!tpu.dma_semaphore, #tpu.memory_space<semaphore_mem>>) src(%dma_wait3A_79 : memref<4x4096xf32, #tpu.memory_space<hbm>>) dst(%arg7 : memref<4x4096xf32, #tpu.memory_space<vmem>>)
      %mul3A_80 = arith.constant 4 : i32
      %mul3A_81 = arith.muli %sub3A_59, %mul3A_80 : i32
      %add3A_82 = arith.addi %mul3A_2, %mul3A_81 : i32
      %dma_start3A_83 = arith.constant 0 : i32
      %dma_start3A_84 = tpu.memref_slice %arg4[%add3A_82, %dma_start3A_83] : memref<8192x4096xf32, #tpu.memory_space<hbm>> -> memref<4x4096xf32, #tpu.memory_space<hbm>>
      %dma_start3A_85 = arith.constant 0 : i32
      %dma_start3A_86 = tpu.memref_slice %arg4[%add3A_82, %dma_start3A_85] : memref<8192x4096xf32, #tpu.memory_space<hbm>> -> memref<4x4096xf32, #tpu.memory_space<hbm>>
      tpu.enqueue_dma source(%arg7 : memref<4x4096xf32, #tpu.memory_space<vmem>>) target(%dma_start3A_86 : memref<4x4096xf32, #tpu.memory_space<hbm>>) target_semaphore(%arg11 : memref<!tpu.dma_semaphore, #tpu.memory_space<semaphore_mem>>)
      %dma_wait3A_87 = arith.constant 0 : i32
      %dma_wait3A_88 = arith.constant 0 : i32
      %dma_wait3A_89 = tpu.memref_slice %arg4[%dma_wait3A_87, %dma_wait3A_88] : memref<8192x4096xf32, #tpu.memory_space<hbm>> -> memref<4x4096xf32, #tpu.memory_space<hbm>>
      %dma_wait3A_90 = arith.constant 0 : i32
      %dma_wait3A_91 = arith.constant 0 : i32
      %dma_wait3A_92 = tpu.memref_slice %arg4[%dma_wait3A_90, %dma_wait3A_91] : memref<8192x4096xf32, #tpu.memory_space<hbm>> -> memref<4x4096xf32, #tpu.memory_space<hbm>>
      tpu.wait_dma2 semaphore(%arg11 : memref<!tpu.dma_semaphore, #tpu.memory_space<semaphore_mem>>) src(%arg7 : memref<4x4096xf32, #tpu.memory_space<vmem>>) dst(%dma_wait3A_92 : memref<4x4096xf32, #tpu.memory_space<hbm>>)
      %add3A_93 = arith.constant 2 : i32
      %add3A_94 = arith.addi %sub3A_59, %add3A_93 : i32
      %dma_start3A_95 = arith.constant 0 : i32
      %dma_start3A_96 = tpu.memref_slice %arg5[%add3A_94, %dma_start3A_95] : memref<64x4xi32, #tpu.memory_space<vmem>> -> memref<1x4xi32, #tpu.memory_space<vmem>>
      %dma_start3A_97 = tpu.memref_squeeze %dma_start3A_96 : memref<1x4xi32, #tpu.memory_space<vmem>> -> memref<4xi32, #tpu.memory_space<vmem>>
      %dma_start3A_98 = arith.constant 0 : i32
      %dma_start3A_99 = arith.constant 0 : i32
      %dma_start3A_100 = tpu.memref_slice %arg3[%dma_start3A_98, %dma_start3A_99] : memref<32000x4096xf32, #tpu.memory_space<hbm>> -> memref<32000x4096xf32, #tpu.memory_space<hbm>>
      tpu.enqueue_indirect_dma source(%dma_start3A_100 : memref<32000x4096xf32, #tpu.memory_space<hbm>>) target(%arg7 : memref<4x4096xf32, #tpu.memory_space<vmem>>) offsets(%dma_start3A_97 : memref<4xi32, #tpu.memory_space<vmem>>) semaphore(%arg9 : memref<!tpu.dma_semaphore, #tpu.memory_space<semaphore_mem>>)
      %dma_wait3A_101 = arith.constant 0 : i32
      %dma_wait3A_102 = arith.constant 0 : i32
      %dma_wait3A_103 = tpu.memref_slice %arg3[%dma_wait3A_101, %dma_wait3A_102] : memref<32000x4096xf32, #tpu.memory_space<hbm>> -> memref<4x4096xf32, #tpu.memory_space<hbm>>
      %dma_wait3A_104 = arith.constant 0 : i32
      %dma_wait3A_105 = arith.constant 0 : i32
      %dma_wait3A_106 = tpu.memref_slice %arg3[%dma_wait3A_104, %dma_wait3A_105] : memref<32000x4096xf32, #tpu.memory_space<hbm>> -> memref<4x4096xf32, #tpu.memory_space<hbm>>
      tpu.wait_dma2 semaphore(%arg8 : memref<!tpu.dma_semaphore, #tpu.memory_space<semaphore_mem>>) src(%dma_wait3A_106 : memref<4x4096xf32, #tpu.memory_space<hbm>>) dst(%arg6 : memref<4x4096xf32, #tpu.memory_space<vmem>>)
      %add3A_107 = arith.constant 1 : i32
      %add3A_108 = arith.addi %sub3A_59, %add3A_107 : i32
      %mul3A_109 = arith.constant 4 : i32
      %mul3A_110 = arith.muli %add3A_108, %mul3A_109 : i32
      %add3A_111 = arith.addi %mul3A_2, %mul3A_110 : i32
      %dma_start3A_112 = arith.constant 0 : i32
      %dma_start3A_113 = tpu.memref_slice %arg4[%add3A_111, %dma_start3A_112] : memref<8192x4096xf32, #tpu.memory_space<hbm>> -> memref<4x4096xf32, #tpu.memory_space<hbm>>
      %dma_start3A_114 = arith.constant 0 : i32
      %dma_start3A_115 = tpu.memref_slice %arg4[%add3A_111, %dma_start3A_114] : memref<8192x4096xf32, #tpu.memory_space<hbm>> -> memref<4x4096xf32, #tpu.memory_space<hbm>>
      tpu.enqueue_dma source(%arg6 : memref<4x4096xf32, #tpu.memory_space<vmem>>) target(%dma_start3A_115 : memref<4x4096xf32, #tpu.memory_space<hbm>>) target_semaphore(%arg10 : memref<!tpu.dma_semaphore, #tpu.memory_space<semaphore_mem>>)
    }
    %scan3A_31 = arith.constant 31 : i32
    %dma_wait3A_32 = arith.constant 0 : i32
    %dma_wait3A_33 = arith.constant 0 : i32
    %dma_wait3A_34 = tpu.memref_slice %arg4[%dma_wait3A_32, %dma_wait3A_33] : memref<8192x4096xf32, #tpu.memory_space<hbm>> -> memref<4x4096xf32, #tpu.memory_space<hbm>>
    %dma_wait3A_35 = arith.constant 0 : i32
    %dma_wait3A_36 = arith.constant 0 : i32
    %dma_wait3A_37 = tpu.memref_slice %arg4[%dma_wait3A_35, %dma_wait3A_36] : memref<8192x4096xf32, #tpu.memory_space<hbm>> -> memref<4x4096xf32, #tpu.memory_space<hbm>>
    tpu.wait_dma2 semaphore(%arg10 : memref<!tpu.dma_semaphore, #tpu.memory_space<semaphore_mem>>) src(%arg6 : memref<4x4096xf32, #tpu.memory_space<vmem>>) dst(%dma_wait3A_37 : memref<4x4096xf32, #tpu.memory_space<hbm>>)
    %dma_wait3A_38 = arith.constant 0 : i32
    %dma_wait3A_39 = arith.constant 0 : i32
    %dma_wait3A_40 = tpu.memref_slice %arg3[%dma_wait3A_38, %dma_wait3A_39] : memref<32000x4096xf32, #tpu.memory_space<hbm>> -> memref<4x4096xf32, #tpu.memory_space<hbm>>
    %dma_wait3A_41 = arith.constant 0 : i32
    %dma_wait3A_42 = arith.constant 0 : i32
    %dma_wait3A_43 = tpu.memref_slice %arg3[%dma_wait3A_41, %dma_wait3A_42] : memref<32000x4096xf32, #tpu.memory_space<hbm>> -> memref<4x4096xf32, #tpu.memory_space<hbm>>
    tpu.wait_dma2 semaphore(%arg9 : memref<!tpu.dma_semaphore, #tpu.memory_space<semaphore_mem>>) src(%dma_wait3A_43 : memref<4x4096xf32, #tpu.memory_space<hbm>>) dst(%arg7 : memref<4x4096xf32, #tpu.memory_space<vmem>>)
    %add3A_44 = arith.constant 252 : i32
    %add3A_45 = arith.addi %mul3A_2, %add3A_44 : i32
    %dma_start3A_46 = arith.constant 0 : i32
    %dma_start3A_47 = tpu.memref_slice %arg4[%add3A_45, %dma_start3A_46] : memref<8192x4096xf32, #tpu.memory_space<hbm>> -> memref<4x4096xf32, #tpu.memory_space<hbm>>
    %dma_start3A_48 = arith.constant 0 : i32
    %dma_start3A_49 = tpu.memref_slice %arg4[%add3A_45, %dma_start3A_48] : memref<8192x4096xf32, #tpu.memory_space<hbm>> -> memref<4x4096xf32, #tpu.memory_space<hbm>>
    tpu.enqueue_dma source(%arg7 : memref<4x4096xf32, #tpu.memory_space<vmem>>) target(%dma_start3A_49 : memref<4x4096xf32, #tpu.memory_space<hbm>>) target_semaphore(%arg11 : memref<!tpu.dma_semaphore, #tpu.memory_space<semaphore_mem>>)
    %dma_wait3A_50 = arith.constant 0 : i32
    %dma_wait3A_51 = arith.constant 0 : i32
    %dma_wait3A_52 = tpu.memref_slice %arg4[%dma_wait3A_50, %dma_wait3A_51] : memref<8192x4096xf32, #tpu.memory_space<hbm>> -> memref<4x4096xf32, #tpu.memory_space<hbm>>
    %dma_wait3A_53 = arith.constant 0 : i32
    %dma_wait3A_54 = arith.constant 0 : i32
    %dma_wait3A_55 = tpu.memref_slice %arg4[%dma_wait3A_53, %dma_wait3A_54] : memref<8192x4096xf32, #tpu.memory_space<hbm>> -> memref<4x4096xf32, #tpu.memory_space<hbm>>
    tpu.wait_dma2 semaphore(%arg11 : memref<!tpu.dma_semaphore, #tpu.memory_space<semaphore_mem>>) src(%arg7 : memref<4x4096xf32, #tpu.memory_space<vmem>>) dst(%dma_wait3A_55 : memref<4x4096xf32, #tpu.memory_space<hbm>>)
    return
  }
}

</mosaic_0001>

<sc_bundles>
// kernel: kernel.3.cloned.1.call-start
scs
__scs_entry_jumppad:
0x0: {  	(pc) =	sbr.rel $0x88, $3  }
0x1: {  	(tag) =	ssettag $0x0;
	lr =	simm.s32 $0x1  }
0x2: {  	[smem:$0x3F9F] =	sst lr;
	_ =	strace $0xD0000000  }
0x3: {  	_ = 	snop  }
0x4: {  	_ = 	snop  }
0x5: {  	_ = 	snop  }
0x6: {  	_ = 	snop  }
0x7: {  	_ = 	snop  }
__scs_overlays_trampoline_lowered:
0x8: {  	[smem:$0x3FAE] =	sst s0  }
0x9: {  	[smem:$0x3FAF] =	sst s1  }
0xa: {  	[smem:$0x3FB0] =	sst s2  }
0xb: {  	[smem:$0x3FB1] =	sst s3  }
0xc: {  	[smem:$0x3FB2] =	sst s4  }
0xd: {  	[smem:$0x3FB3] =	sst s5  }
0xe: {  	[smem:$0x3FB4] =	sst s6  }
0xf: {  	[smem:$0x3FB5] =	sst s7  }
0x10: {  	[smem:$0x3FB6] =	sst s8  }
0x11: {  	[smem:$0x3FB7] =	sst s9;
	s0 =	simm.s32 @!p0 $0x0  }
0x12: {  	s1 =	sld [smem:$0x3F9D];
	s0 =	simm.s32 @p0 $0x1  }
0x13: {  	[smem:$0x3FB8] =	sst s0;
	s0 =	simm.s32 @!p1 $0x0  }
0x14: {  	s2 =	sld [smem:$0x3F9C];
	s0 =	simm.s32 @p1 $0x1  }
0x15: {  	[smem:$0x3FB9] =	sst s0;
	s0 =	simm.s32 @!p2 $0x0  }
0x16: {  	s3 =	sld [smem:$0x3FDB];
	s0 =	simm.s32 @p2 $0x1  }
0x17: {  	s4 =	simm.s32 $0x1BF5;
	[smem:$0x3FBB] =	sst s0  }
0x18: {  	s0 =	sld [smem:$0x3F9E];
	_ =	swait.ge [sflag:s4], $0x0  }
0x19: {  	s7 =	sld [smem:$0x3F9F]  }
0x1a: {  	s8 =	sadd.s32 $0xFFFFE003, lr  }
0x1b: {  	s9 =	sadd.s32 $0xFFFFFEF7, lr;
	s5 =	simm.s32 $0xFFFFFFFF;
	p2 =	slt.u32 s8, $0xFFFFF086  }
0x1c: {  	p1 =	slt.u32 s9, $0xF7A;
	s5 =	simm.s32 @!p2 $0x0  }
0x1d: {  	s5 =	simm.s32 @p1 $0x1;
	p0 =	seq.s32 s7, s2  }
0x1e: {  	s7 =	smul.u32 @!p0 $0xF7A, s2;
	p2 =	seq.s32 @!p0 s5, $0x0  }
0x1f: {  	s9 =	smul.u32 $0xF7A, s1;
	s8 =	simm.s32 @!p0 $0x1BF5;
	p2 =	por !p2, p0  }
0x20: {  	[sflag:s8] =	ssyncset.s32 @!p0 $0xFFFFF086;
	s6 =	sadd.s32 @!p0 s3, s7;
	s7 =	simm.s32 @!p0 $0x108  }
0x21: {  	s3 =	sadd.s32 s3, s9;
	s6 =	sadd.s32 @!p0 $0x88, s6;
	s7 =	simm.s32 @p2 $0x1082  }
0x22: {  	[simem:s7], [sflag:s8] =	dma.local @!p0 [hbm:s6], $0xF7A  }
0x23: {  	s9 =	sor.u32 $0xD0000000, s2;
	s6 =	simm.s32 $0x108;
	_ =	swait.ge @!p0 [sflag:s8], $0x0  }
0x24: {  	s3 =	sadd.s32 $0x88, s3;
	s6 =	simm.s32 @!p1 $0x1082;
	[sflag:s4] =	ssyncset.s32 $0xFFFFF086  }
0x25: {  	[simem:s6], [sflag:s4] =	dma.local [hbm:s3], $0xF7A  }
0x26: {  	[smem:$0x3F9F] =	sst s1;
	(tag) =	ssettag s2;
	_ =	strace s9  }
0x27: {  	s1 =	sld [smem:$0x3FAF]  }
0x28: {  	s2 =	sld [smem:$0x3FB0]  }
0x29: {  	s4 =	sld [smem:$0x3FB2]  }
0x2a: {  	p0 =	seq.s32 s5, $0x0;
	s5 =	sld [smem:$0x3FB3]  }
0x2b: {  	s6 =	sld [smem:$0x3FB4]  }
0x2c: {  	s7 =	sld [smem:$0x3FB5]  }
0x2d: {  	s3 =	simm.s32 $0x108;
	s8 =	sld [smem:$0x3FB6]  }
0x2e: {  	s3 =	simm.s32 @!p0 $0x1082;
	s9 =	sld [smem:$0x3FB7]  }
0x2f: {  	lr =	sadd.s32 s0, s3;
	s0 =	sld [smem:$0x3FAE]  }
0x30: {  	s3 =	sld [smem:$0x3FB1]  }
0x31: {  	[smem:$0x3FBA] =	sst s10  }
0x32: {  	s10 =	sld [smem:$0x3FB8];
	_ =	sdelay $0x3  }
0x33: {  	p0 =	seq.s32 s10, $0x1;
	s10 =	sld [smem:$0x3FBA];
	_ =	sdelay $0x3  }
0x34: {  	[smem:$0x3FBA] =	sst s10  }
0x35: {  	s10 =	sld [smem:$0x3FB9];
	_ =	sdelay $0x3  }
0x36: {  	p1 =	seq.s32 s10, $0x1;
	s10 =	sld [smem:$0x3FBA];
	_ =	sdelay $0x3  }
0x37: {  	[smem:$0x3FBA] =	sst s10  }
0x38: {  	s10 =	sld [smem:$0x3FBB]  }
0x39: {  	_ = 	snop;
	(pc) =	sbr.ind lr, $3  }
0x3a: {  	_ = 	snop  }
0x3b: {  	_ = 	snop  }
0x3c: {  	p2 =	seq.s32 s10, $0x1;
	s10 =	sld [smem:$0x3FBA]  }
0x3d: {  	_ =	shalt  }
0x3e: {  	_ =	shalt  }
0x3f: {  	_ =	shalt  }
0x40: {  	_ =	shalt  }
0x41: {  	_ =	shalt  }
0x42: {  	_ =	shalt  }
0x43: {  	_ =	shalt  }
0x44: {  	_ =	shalt  }
0x45: {  	_ =	shalt  }
0x46: {  	_ =	shalt  }
0x47: {  	_ =	shalt  }
0x48: {  	_ =	shalt  }
0x49: {  	_ =	shalt  }
0x4a: {  	_ =	shalt  }
0x4b: {  	_ =	shalt  }
0x4c: {  	_ =	shalt  }
0x4d: {  	_ =	shalt  }
0x4e: {  	_ =	shalt  }
0x4f: {  	_ =	shalt  }
0x50: {  	_ =	shalt  }
0x51: {  	_ =	shalt  }
0x52: {  	_ =	shalt  }
0x53: {  	_ =	shalt  }
0x54: {  	_ =	shalt  }
0x55: {  	_ =	shalt  }
0x56: {  	_ =	shalt  }
0x57: {  	_ =	shalt  }
0x58: {  	_ =	shalt  }
0x59: {  	_ =	shalt  }
0x5a: {  	_ =	shalt  }
0x5b: {  	_ =	shalt  }
0x5c: {  	_ =	shalt  }
0x5d: {  	_ =	shalt  }
0x5e: {  	_ =	shalt  }
0x5f: {  	_ =	shalt  }
0x60: {  	_ =	shalt  }
0x61: {  	_ =	shalt  }
0x62: {  	_ =	shalt  }
0x63: {  	_ =	shalt  }
0x64: {  	_ =	shalt  }
0x65: {  	_ =	shalt  }
0x66: {  	_ =	shalt  }
0x67: {  	_ =	shalt  }
0x68: {  	_ =	shalt  }
0x69: {  	_ =	shalt  }
0x6a: {  	_ =	shalt  }
0x6b: {  	_ =	shalt  }
0x6c: {  	_ =	shalt  }
0x6d: {  	_ =	shalt  }
0x6e: {  	_ =	shalt  }
0x6f: {  	_ =	shalt  }
0x70: {  	_ =	shalt  }
0x71: {  	_ =	shalt  }
0x72: {  	_ =	shalt  }
0x73: {  	_ =	shalt  }
0x74: {  	_ =	shalt  }
0x75: {  	_ =	shalt  }
0x76: {  	_ =	shalt  }
0x77: {  	_ =	shalt  }
0x78: {  	_ =	shalt  }
0x79: {  	_ =	shalt  }
0x7a: {  	_ =	shalt  }
0x7b: {  	_ =	shalt  }
0x7c: {  	_ =	shalt  }
0x7d: {  	_ =	shalt  }
0x7e: {  	_ =	shalt  }
0x7f: {  	_ =	shalt  }
0x80: {  	_ =	shalt  }
0x81: {  	_ =	shalt  }
0x82: {  	_ =	shalt  }
0x83: {  	_ =	shalt  }
0x84: {  	_ =	shalt  }
0x85: {  	_ =	shalt  }
0x86: {  	_ =	shalt  }
0x87: {  	_ =	shalt  }
.Lfunc_end0:
.L_simem_size_0:
called_computation_lowered:
.L_overlay_start_0:
0x88: {  	s2 =	sld [smem:$0x3FD9]  }
0x89: {  	s3 =	sld [smem:$0x3FFE];
	_ =	sdelay $0x1  }
0x8a: {  	s1 =	srdreg.scid  }
0x8b: {  	s0 =	sand.u32 $0x1, s1  }
0x8c: {  	s17 =	sshll.u32 s0, $0xA;
	s2 =	sadd.s32 s3, s2  }
0x8d: {  	s2 =	sadd.s32 s2, s17  }
0x8e: {  	[smem:$0x3FC6] =	sst s2  }
0x8f: {  	_ = 	snop  }
0x90: {  	s2 =	sld [smem:$0x3FC8]  }
0x91: {  	s18 =	sld [smem:$0x3FD0];
	(tm) =	ssettm $0x1  }
0x92: {  	s4 =	sld [smem:$0x3FFB];
	_ =	sdelay $0x3  }
0x93: {  	_ =	strace s4  }
0x94: {  	s4 =	sld [smem:$0x3FFC];
	_ =	sdelay $0x3  }
0x95: {  	_ =	strace s4  }
0x96: {  	s4 =	sld [smem:$0x3FFD];
	_ =	sdelay $0x3  }
0x97: {  	_ =	strace s4  }
0x98: {  	_ =	strace $0x8FFFFFFF  }
0x99: {  	s19 =	sld [smem:$0x3FDB];
	_ =	sdelay $0x1  }
0x9a: {  	s5 =	simm.s32 $_scs_section_size  }
0x9b: {  	s6 =	simm.s32 $_size__tile_overlayer_lowered;
	s7 =	simm.s32 $_tile_overlayer_lowered  }
0x9c: {  	s22 =	simm.s32 $0x1BFF;
	s21 =	sshll.u32 s7, $0x1;
	s4 =	sadd.s32 s5, s19  }
0x9d: {  	s8 =	simm.s32 $0x0;
	s20 =	sshll.u32 s6, $0x1;
	s6 =	sadd.s32 s21, s4  }
0x9e: {  	[timem:s8], [sflag:s22] =	dma.local [hbm:s6], s20  }
0x9f: {  	_ =	swait.ge [sflag:s22], s20  }
0xa0: {  	s5 =	ssub.s32 $0x0, s20;
	[sflag:s22] =	ssyncset.done $0x0  }
0xa1: {  	[sflag:s22] =	ssyncadd.s32 s5;
	_ =	sdelay $0x1  }
0xa2: {  	s23 =	simm.s32 $0x1B8B  }
0xa3: {  	_ =	swait.ge [sflag:s23], $0x1  }
0xa4: {  	[sflag:s23] =	ssyncset.done $0x0  }
0xa5: {  	s25 =	simm.s32 $0x1B8E;
	s24 =	sld [smem:$0x3FFE];
	[sflag:s23] =	ssyncadd.s32 $0xFFFFFFFF  }
0xa6: {  	s26 =	simm.s32 $execute0_lowered;
	[smem:$0x3FD2] =	sst s25  }
0xa7: {  	s6 =	sshll.u32 s26, $0x1;
	_ =	strace $0x80000046;
	[dreg:$0x1] =	wrdreg $0xFFFFFFFF  }
0xa8: {  	s28 =	simm.s32 $_size_execute0_lowered;
	s4 =	sadd.s32 s4, s6;
	[dreg:$0x0] =	wrdreg $0x0  }
0xa9: {  	s6 =	sshll.u32 s28, $0x1;
	[dreg:$0x2] =	wrdreg s4  }
0xaa: {  	[dreg:$0x3] =	wrdreg s6  }
0xab: {  	[dreg:$0x4] =	wrdreg $0xC0  }
0xac: {  	_ =	task [dreg:s8], $0x5FFFF  }
0xad: {  	[dreg:$0x1] =	wrdreg $0xFFFFFFFF  }
0xae: {  	[dreg:$0x0] =	wrdreg $0x60  }
0xaf: {  	[dreg:$0x2] =	wrdreg s24  }
0xb0: {  	[dreg:$0x3] =	wrdreg s2  }
0xb1: {  	[dreg:$0x4] =	wrdreg s18  }
0xb2: {  	[dreg:$0x5] =	wrdreg $0x9  }
0xb3: {  	_ =	task.clear_ibuf [dreg:s8], $0x6FFFF;
	_ =	strace $0x90000046  }
0xb4: {  	s29 =	simm.s32 $0x9;
	_ =	strace $0x80000048  }
0xb5: {  	_ =	swait.ge [sflag:s29], $0x1  }
0xb6: {  	[sflag:s29] =	ssyncadd.s32 $0xFFFFFFFF  }
0xb7: {  	_ =	strace $0x90000048  }
0xb8: {  	_ =	sfence  }
0xb9: {  	s30 =	sld [smem:$0x0];
	_ =	sdelay $0x2  }
0xba: {  	s31 =	sshll.u32 s1, $0xD;
	s1 =	sshrl.u32 s1, $0x2  }
0xbb: {  	s3 =	sand.u32 $0x4000, s31;
	s1 =	sadd.s32 s1, s30  }
0xbc: {  	s0 =	sor.u32 s3, s0;
	s1 =	sshll.u32 s1, $0x11  }
0xbd: {  	s0 =	sor.u32 s1, s0  }
0xbe: {  	s0 =	sadd.s32 $0x8F2B, s0  }
0xbf: {  	[sflag:s0] =	ssyncadd.remote.s32 $0x1  }
0xc0: {  	_ =	sfence.sel $0xFFFF  }
0xc1: {  	[dreg:$0x0] =	wrdreg $0xFFFFFFFF;
	(pc) =	sbr.abs _section_cstart, $3  }
0xc2: {  	[dreg:$0x1] =	wrdreg $0xFFFFFFFF  }
0xc3: {  	_ =	task.clear_ibuf [dreg:s8], $0x2FFFF;
	_ =	strace $0x9FFFFFFF  }
0xc4: {  	(tm) =	ssettm $0x7FFFFFFF  }
0xc5: {  	_ =	shalt  }
tec
execute0_lowered:
.L_overlay_start_1:
0x0: {  	(tag) =	ssettag $0x1  }
0x1: {  	s0 =	rddreg [dreg:$0x0]  }
0x2: {  	s31 =	rddreg [dreg:$0x1]  }
0x3: {  	s1 =	rddreg [dreg:$0x2]  }
0x4: {  	s4 =	srdreg.scid;
	s9 =	stileid.u32  }
0x5: {  	s3 =	simm.s32 $0x0;
	s16 =	simm.s32 $0x2000;
	s19 =	simm.s32 $0x2800  }
0x6: {  	s18 =	simm.s32 $0x3000;
	s20 =	simm.s32 $0x3800;
	s21 =	simm.s32 $0x4000  }
0x7: {  	s22 =	simm.s32 $0x4800;
	s23 =	simm.s32 $0x5000;
	s28 =	simm.s32 $0x7000  }
0x8: {  	s29 =	simm.s32 $0x7800;
	s30 =	simm.s32 $0x8000;
	s2 =	simm.s32 $0x9000  }
0x9: {  	s15 =	simm.s32 $0x4;
	s17 =	simm.s32 $0x0;
	s4 =	sand.u32 $0x1, s4  }
0xa: {  	s5 =	sshll.u32 s9, $0x1;
	[smem:$0x7FF] =	sst s3;
	s24 =	sshll.u32 s9, $0x12  }
0xb: {  	s9 =	sadd.s32 $0xA00, s31;
	s10 =	sadd.s32 $0xC00, s31;
	s5 =	sor.u32 s4, s5  }
0xc: {  	s6 =	ssub.s32 $0x2, s4;
	_ =	strace $0x80000047;
	s11 =	sadd.s32 s24, s1  }
0xd: {  	s4 =	sshll.u32 s4, $0x11;
	[dreg:$0xa] =	wrdreg s17;
	s7 =	sshll.u32 s5, $0xA  }
0xe: {  	s8 =	sshrl.u32 s6, $0x1;
	s13 =	sshll.u32 s5, $0x11;
	s5 =	sadd.s32 $0x200, s31  }
0xf: {  	s14 =	sadd.s32 s4, s11;
	s11 =	sadd.s32 $0xE00, s31;
	s0 =	sadd.s32 s7, s0  }
0x10: {  	s12 =	ssub.s32 s6, s8;
	s6 =	sadd.s32 $0x400, s31;
	s7 =	sadd.s32 $0x600, s31  }
0x11: {  	s8 =	sadd.s32 $0x800, s31;
	s25 =	sadd.s32 $0x1000, s14;
	s14 =	simm.s32 $0x3  }
0x12: {  	s0 =	sadd.s32 $0x400, s0;
	[dreg:$0x4] =	wrdreg s25;
	s26 =	smax.u32 s12, $0x1  }
0x13: {  	s25 =	simm.s32 $0x5800;
	s12 =	simm.s32 $0x2;
	[dreg:$0x6] =	wrdreg s0  }
0x14: {  	s0 =	sor.u32 s4, s24;
	[dreg:$0x9] =	wrdreg s26;
	s24 =	simm.s32 $0x6000  }
0x15: {  	s26 =	simm.s32 $0x6800;
	s0 =	sadd.s32 s0, s1;
	s1 =	sadd.s32 s1, s13  }
0x16: {  	v0 =	vlaneseq.u32;
	s4 =	simm.s32 $0x200;
	[dreg:$0x7] =	wrdreg s1;
	s1 =	sadd.s32 $0x1F040, s1  }
0x17: {  	v1 =	vshrl.u32 v0, $0x2;
	s13 =	simm.s32 $0x400;
	s0 =	sadd.s32 $0x40, s0;
	[dreg:$0x8] =	wrdreg s1  }
0x18: {  	vm0 =	vmmov $0xffff;
	v0 =	vand.u32 $0x3, v0;
	v1 =	vmul.u32 $0x8, v1;
	[dreg:$0x5] =	wrdreg s0;
	s0 =	simm.s32 $0x8800;
	s1 =	simm.s32 $0x1  }
.LBB2_1:
0x19: {  	s17 =	rddreg [dreg:$0x6]  }
0x1a: {  	[tilespmem:s3], [sflag:$0x5] =	stream.linear.gather [hbm4b:s17+s3], $0x2000, $0x38;
	[tilespmem:$0xA000] =	vst v63  }
0x1b: {  	s17 =	simm.s32 $0x5  }
0x1c: {  	_ =	swait.ge [sflag:s17], $0x2000  }
0x1d: {  	[sflag:s17] =	ssyncset.done $0x0  }
0x1e: {  	[sflag:s17] =	ssyncadd.s32 $0xFFFFE000  }
0x1f: {  	v2 =	vld.msk [tilespmem:$0x0], $0xf;
	_ =	sdelay $0x4  }
0x20: {  	v3 =	vshll.u32 v2, $0x5  }
0x21: {  	v2 =	vand.u32 $0x7, v2;
	v3 =	vand.u32 $0xFFFFFF00, v3  }
0x22: {  	v2 =	vor.u32 v2, v3  }
0x23: {  	v2 =	vperm.xlane v2, v0;
	_ =	sdelay $0x1  }
0x24: {  	v2 =	vadd.s32 v1, v2;
	_ =	sdelay $0x4  }
0x25: {  	[tilespmem:s16], [sflag:$0x1] =	stream.indirect_vreg.gather [hbm4b:s31+s3], $0x80, v2, vm0, $0xb8;
	[tilespmem:$0xA000] =	vst v63  }
0x26: {  	_ = 	snop  }
0x27: {  	[tilespmem:s19], [sflag:$0x1] =	stream.indirect_vreg.gather [hbm4b:s5+s3], $0x80, v2, vm0, $0xb8;
	[tilespmem:$0xA000] =	vst v63  }
0x28: {  	_ = 	snop  }
0x29: {  	[tilespmem:s18], [sflag:$0x1] =	stream.indirect_vreg.gather [hbm4b:s6+s3], $0x80, v2, vm0, $0xb8;
	[tilespmem:$0xA000] =	vst v63  }
0x2a: {  	_ = 	snop  }
0x2b: {  	[tilespmem:s20], [sflag:$0x1] =	stream.indirect_vreg.gather [hbm4b:s7+s3], $0x80, v2, vm0, $0xb8;
	[tilespmem:$0xA000] =	vst v63  }
0x2c: {  	_ = 	snop  }
0x2d: {  	[tilespmem:s21], [sflag:$0x1] =	stream.indirect_vreg.gather [hbm4b:s8+s3], $0x80, v2, vm0, $0xb8;
	[tilespmem:$0xA000] =	vst v63  }
0x2e: {  	_ = 	snop  }
0x2f: {  	[tilespmem:s22], [sflag:$0x1] =	stream.indirect_vreg.gather [hbm4b:s9+s3], $0x80, v2, vm0, $0xb8;
	[tilespmem:$0xA000] =	vst v63  }
0x30: {  	_ = 	snop  }
0x31: {  	[tilespmem:s23], [sflag:$0x1] =	stream.indirect_vreg.gather [hbm4b:s10+s3], $0x80, v2, vm0, $0xb8;
	[tilespmem:$0xA000] =	vst v63  }
0x32: {  	_ = 	snop  }
0x33: {  	[tilespmem:s25], [sflag:$0x1] =	stream.indirect_vreg.gather [hbm4b:s11+s3], $0x80, v2, vm0, $0xb8;
	[tilespmem:$0xA000] =	vst v63  }
0x34: {  	v2 =	vld.msk [tilespmem:$0x80], $0xf;
	_ =	sdelay $0x4  }
0x35: {  	v3 =	vshll.u32 v2, $0x5  }
0x36: {  	v2 =	vand.u32 $0x7, v2;
	v3 =	vand.u32 $0xFFFFFF00, v3  }
0x37: {  	v2 =	vor.u32 v2, v3  }
0x38: {  	v2 =	vperm.xlane v2, v0;
	_ =	sdelay $0x1  }
0x39: {  	v2 =	vadd.s32 v1, v2;
	_ =	sdelay $0x4  }
0x3a: {  	[tilespmem:s24], [sflag:$0x2] =	stream.indirect_vreg.gather [hbm4b:s31+s3], $0x80, v2, vm0, $0xb8;
	[tilespmem:$0xA000] =	vst v63  }
0x3b: {  	_ = 	snop  }
0x3c: {  	[tilespmem:s26], [sflag:$0x2] =	stream.indirect_vreg.gather [hbm4b:s5+s3], $0x80, v2, vm0, $0xb8;
	[tilespmem:$0xA000] =	vst v63  }
0x3d: {  	_ = 	snop  }
0x3e: {  	[tilespmem:s28], [sflag:$0x2] =	stream.indirect_vreg.gather [hbm4b:s6+s3], $0x80, v2, vm0, $0xb8;
	[tilespmem:$0xA000] =	vst v63  }
0x3f: {  	_ = 	snop  }
0x40: {  	[tilespmem:s29], [sflag:$0x2] =	stream.indirect_vreg.gather [hbm4b:s7+s3], $0x80, v2, vm0, $0xb8;
	[tilespmem:$0xA000] =	vst v63  }
0x41: {  	_ = 	snop  }
0x42: {  	[tilespmem:s30], [sflag:$0x2] =	stream.indirect_vreg.gather [hbm4b:s8+s3], $0x80, v2, vm0, $0xb8;
	[tilespmem:$0xA000] =	vst v63  }
0x43: {  	s17 =	simm.s32 $0x180  }
0x44: {  	[tilespmem:s0], [sflag:$0x2] =	stream.indirect_vreg.gather [hbm4b:s9+s3], $0x80, v2, vm0, $0xb8;
	[tilespmem:$0xA000] =	vst v63  }
0x45: {  	s18 =	simm.s32 $0x0;
	s20 =	simm.s32 $0x3000;
	s21 =	simm.s32 $0x3800  }
0x46: {  	[tilespmem:s2], [sflag:$0x2] =	stream.indirect_vreg.gather [hbm4b:s10+s3], $0x80, v2, vm0, $0xb8;
	[tilespmem:$0xA000] =	vst v63  }
0x47: {  	s22 =	simm.s32 $0x4000;
	s23 =	simm.s32 $0x4800;
	s25 =	simm.s32 $0x9800  }
0x48: {  	[tilespmem:s25], [sflag:$0x2] =	stream.indirect_vreg.gather [hbm4b:s11+s3], $0x80, v2, vm0, $0xb8;
	[tilespmem:$0xA000] =	vst v63  }
0x49: {  	s28 =	simm.s32 $0x6800;
	s29 =	simm.s32 $0x7000;
	_ =	swait.ge [sflag:s1], $0x4000  }
0x4a: {  	s30 =	simm.s32 $0x7800;
	s0 =	simm.s32 $0x8800;
	[sflag:s1] =	ssyncset.done $0x0  }
0x4b: {  	s2 =	simm.s32 $0x9000;
	s26 =	rddreg [dreg:$0x7];
	[sflag:s1] =	ssyncadd.s32 $0xFFFFC000  }
0x4c: {  	[hbm4b:s26+s4] =	stream.strided.scatter [tilespmem:s16], [sflag:$0x3], $0x4000, s13, s4, $0x38;
	[tilespmem:$0xA000] =	vst v63  }
0x4d: {  	s25 =	simm.s32 $0x5000;
	s16 =	simm.s32 $0x2000;
	s26 =	simm.s32 $0x5800  }
.LBB2_2:
0x4e: {  	_ =	swait.ge [sflag:s14], $0x4000  }
0x4f: {  	[sflag:s14] =	ssyncset.done $0x0  }
0x50: {  	[sflag:s14] =	ssyncadd.s32 $0xFFFFC000  }
0x51: {  	v2 =	vld.msk [tilespmem:s17+$0xFFFFFF80], $0xf;
	_ =	sdelay $0x4  }
0x52: {  	v3 =	vshll.u32 v2, $0x5  }
0x53: {  	v2 =	vand.u32 $0x7, v2;
	v3 =	vand.u32 $0xFFFFFF00, v3  }
0x54: {  	v2 =	vor.u32 v2, v3  }
0x55: {  	v2 =	vperm.xlane v2, v0;
	_ =	sdelay $0x1  }
0x56: {  	v2 =	vadd.s32 v1, v2;
	_ =	sdelay $0x4  }
0x57: {  	[tilespmem:s16], [sflag:$0x1] =	stream.indirect_vreg.gather [hbm4b:s31+s3], $0x80, v2, vm0, $0xb8;
	[tilespmem:$0xA000] =	vst v63  }
0x58: {  	_ = 	snop  }
0x59: {  	[tilespmem:s19], [sflag:$0x1] =	stream.indirect_vreg.gather [hbm4b:s5+s3], $0x80, v2, vm0, $0xb8;
	[tilespmem:$0xA000] =	vst v63  }
0x5a: {  	_ = 	snop  }
0x5b: {  	[tilespmem:s20], [sflag:$0x1] =	stream.indirect_vreg.gather [hbm4b:s6+s3], $0x80, v2, vm0, $0xb8;
	[tilespmem:$0xA000] =	vst v63  }
0x5c: {  	_ = 	snop  }
0x5d: {  	[tilespmem:s21], [sflag:$0x1] =	stream.indirect_vreg.gather [hbm4b:s7+s3], $0x80, v2, vm0, $0xb8;
	[tilespmem:$0xA000] =	vst v63  }
0x5e: {  	_ = 	snop  }
0x5f: {  	[tilespmem:s22], [sflag:$0x1] =	stream.indirect_vreg.gather [hbm4b:s8+s3], $0x80, v2, vm0, $0xb8;
	[tilespmem:$0xA000] =	vst v63  }
0x60: {  	_ = 	snop  }
0x61: {  	[tilespmem:s23], [sflag:$0x1] =	stream.indirect_vreg.gather [hbm4b:s9+s3], $0x80, v2, vm0, $0xb8;
	[tilespmem:$0xA000] =	vst v63  }
0x62: {  	_ = 	snop  }
0x63: {  	[tilespmem:s25], [sflag:$0x1] =	stream.indirect_vreg.gather [hbm4b:s10+s3], $0x80, v2, vm0, $0xb8;
	[tilespmem:$0xA000] =	vst v63  }
0x64: {  	_ = 	snop  }
0x65: {  	[tilespmem:s26], [sflag:$0x1] =	stream.indirect_vreg.gather [hbm4b:s11+s3], $0x80, v2, vm0, $0xb8;
	[tilespmem:$0xA000] =	vst v63  }
0x66: {  	_ =	swait.ge [sflag:s12], $0x4000  }
0x67: {  	s19 =	rddreg [dreg:$0x5];
	[sflag:s12] =	ssyncset.done $0x0  }
0x68: {  	[sflag:s12] =	ssyncadd.s32 $0xFFFFC000;
	s19 =	sadd.s32 s18, s19  }
0x69: {  	[hbm4b:s19+s4] =	stream.strided.scatter [tilespmem:s24], [sflag:$0x4], $0x4000, s13, s4, $0x38;
	[tilespmem:$0xA000] =	vst v63  }
0x6a: {  	_ =	swait.ge [sflag:s15], $0x4000  }
0x6b: {  	[sflag:s15] =	ssyncset.done $0x0  }
0x6c: {  	[sflag:s15] =	ssyncadd.s32 $0xFFFFC000  }
0x6d: {  	v2 =	vld.msk [tilespmem:s17+$0x0], $0xf;
	_ =	sdelay $0x4  }
0x6e: {  	v3 =	vshll.u32 v2, $0x5  }
0x6f: {  	v2 =	vand.u32 $0x7, v2;
	v3 =	vand.u32 $0xFFFFFF00, v3  }
0x70: {  	v2 =	vor.u32 v2, v3  }
0x71: {  	v2 =	vperm.xlane v2, v0;
	_ =	sdelay $0x1  }
0x72: {  	v2 =	vadd.s32 v1, v2;
	_ =	sdelay $0x4  }
0x73: {  	[tilespmem:s24], [sflag:$0x2] =	stream.indirect_vreg.gather [hbm4b:s31+s3], $0x80, v2, vm0, $0xb8;
	[tilespmem:$0xA000] =	vst v63  }
0x74: {  	_ = 	snop  }
0x75: {  	[tilespmem:s28], [sflag:$0x2] =	stream.indirect_vreg.gather [hbm4b:s5+s3], $0x80, v2, vm0, $0xb8;
	[tilespmem:$0xA000] =	vst v63  }
0x76: {  	_ = 	snop  }
0x77: {  	[tilespmem:s29], [sflag:$0x2] =	stream.indirect_vreg.gather [hbm4b:s6+s3], $0x80, v2, vm0, $0xb8;
	[tilespmem:$0xA000] =	vst v63  }
0x78: {  	_ = 	snop  }
0x79: {  	[tilespmem:s30], [sflag:$0x2] =	stream.indirect_vreg.gather [hbm4b:s7+s3], $0x80, v2, vm0, $0xb8;
	[tilespmem:$0xA000] =	vst v63  }
0x7a: {  	s19 =	simm.s32 $0x8000  }
0x7b: {  	[tilespmem:s19], [sflag:$0x2] =	stream.indirect_vreg.gather [hbm4b:s8+s3], $0x80, v2, vm0, $0xb8;
	[tilespmem:$0xA000] =	vst v63  }
0x7c: {  	_ = 	snop  }
0x7d: {  	[tilespmem:s0], [sflag:$0x2] =	stream.indirect_vreg.gather [hbm4b:s9+s3], $0x80, v2, vm0, $0xb8;
	[tilespmem:$0xA000] =	vst v63  }
0x7e: {  	_ = 	snop  }
0x7f: {  	[tilespmem:s2], [sflag:$0x2] =	stream.indirect_vreg.gather [hbm4b:s10+s3], $0x80, v2, vm0, $0xb8;
	[tilespmem:$0xA000] =	vst v63  }
0x80: {  	p0 =	sne.s32 s18, $0x1E000;
	s19 =	simm.s32 $0x9800  }
0x81: {  	[tilespmem:s19], [sflag:$0x2] =	stream.indirect_vreg.gather [hbm4b:s11+s3], $0x80, v2, vm0, $0xb8;
	[tilespmem:$0xA000] =	vst v63  }
.Ltmp0:
0x82: {  	_ =	swait.ge [sflag:s1], $0x4000;
	(pc) =	sbr.rel @p0 .LBB2_2-.Ltmp0, $4  }
0x83: {  	s19 =	rddreg [dreg:$0x4];
	[sflag:s1] =	ssyncset.done $0x0  }
0x84: {  	[sflag:s1] =	ssyncadd.s32 $0xFFFFC000;
	s19 =	sadd.s32 s18, s19  }
0x85: {  	[hbm4b:s19+s4] =	stream.strided.scatter [tilespmem:s16], [sflag:$0x3], $0x4000, s13, s4, $0x38;
	[tilespmem:$0xA000] =	vst v63  }
0x86: {  	s17 =	sadd.s32 $0x100, s17;
	s18 =	sadd.s32 $0x1000, s18;
	s19 =	simm.s32 $0x2800  }
0x87: {  	_ =	swait.ge [sflag:s14], $0x4000  }
0x88: {  	[sflag:s14] =	ssyncset.done $0x0  }
0x89: {  	[sflag:s14] =	ssyncadd.s32 $0xFFFFC000  }
0x8a: {  	_ =	swait.ge [sflag:s12], $0x4000  }
0x8b: {  	[sflag:s12] =	ssyncset.done $0x0  }
0x8c: {  	s17 =	rddreg [dreg:$0x8];
	[sflag:s12] =	ssyncadd.s32 $0xFFFFC000  }
0x8d: {  	[hbm4b:s17+s4] =	stream.strided.scatter [tilespmem:s24], [sflag:$0x4], $0x4000, s13, s4, $0x38;
	[tilespmem:$0xA000] =	vst v63  }
0x8e: {  	_ =	swait.ge [sflag:s15], $0x4000  }
0x8f: {  	s0 =	rddreg [dreg:$0xa]  }
0x90: {  	s26 =	rddreg [dreg:$0x9];
	s0 =	sadd.s32 $0x1, s0  }
0x91: {  	s18 =	simm.s32 $0x3000;
	s20 =	simm.s32 $0x3800;
	p0 =	sne.s32 s0, s26  }
.Ltmp1:
0x92: {  	s21 =	simm.s32 $0x4000;
	s22 =	simm.s32 $0x4800;
	(pc) =	sbr.rel @p0 .LBB2_1-.Ltmp1, $4  }
0x93: {  	s23 =	simm.s32 $0x5000;
	s25 =	simm.s32 $0x5800;
	s28 =	simm.s32 $0x7000  }
0x94: {  	s29 =	simm.s32 $0x7800;
	s30 =	simm.s32 $0x8000;
	[sflag:s15] =	ssyncset.done $0x0  }
0x95: {  	s2 =	simm.s32 $0x9000;
	s16 =	simm.s32 $0x2000;
	[sflag:s15] =	ssyncadd.s32 $0xFFFFC000  }
0x96: {  	[dreg:$0xa] =	wrdreg s0;
	s26 =	simm.s32 $0x6800;
	s0 =	simm.s32 $0x8800  }
0x97: {  	_ =	sfence.sel $0x180000  }
0x98: {  	[bflag:$0x0] =	sbarrier.arrive $0xFFFF  }
0x99: {  	_ =	strace $0x90000047  }
0x9a: {  	s0 =	stileid.u32;
	[bflag:$0x2] =	sbarrier.arrive $0xFFFF  }
0x9b: {  	p0 =	sne.s32 s0, $0x0;
	s0 =	rddreg [dreg:$0x3]  }
0x9c: {  	s0 =	sadd.s32 @!p0 $0x100000, s0  }
0x9d: {  	[sflag:s0] =	ssyncadd.tile.s32 @!p0 $0x1;
	_ =	shalt  }
.Lfunc_end2:
_tile_overlayer_lowered:
.L_overlay_start_2:
0x9e: {  	(tag) =	ssettag $0x2  }
0x9f: {  	s0 =	rddreg [dreg:$0x0];
	s2 =	stileid.u32  }
0xa0: {  	s1 =	rddreg [dreg:$0x1];
	p0 =	sne.s32 s2, $0x0  }
0xa1: {  	s3 =	rddreg [dreg:$0x2];
	[bflag:$0x3] =	sbarrier.arrive $0xFFFF;
	s2 =	simm.s32 @!p0 $0x1C05  }
0xa2: {  	[timem:s3], [sflag:s2] =	dma.local @!p0 [hbm:s0], s1  }
0xa3: {  	s0 =	simm.s32 @!p0 $0x5  }
0xa4: {  	_ =	swait.ge @!p0 [sflag:s0], s1  }
0xa5: {  	s1 =	ssub.s32 @!p0 $0x0, s1;
	[sflag:s0] =	ssyncset.done @!p0 $0x0  }
0xa6: {  	[sflag:s0] =	ssyncadd.s32 @!p0 s1  }
0xa7: {  	[bflag:$0x3] =	sbarrier.arrive $0xFFFF  }
0xa8: {  	_ =	shalt  }

</sc_bundles>
